<compile_context>
chip_gen: v7x
topology: tpu7x:2x2x1
jax: 0.10.2.dev20260603
libtpu: 0.0.44.dev20260713+nightly
codegen_flags: <defaults>
</compile_context>

<pallas_src>
import functools

import jax
import jax.numpy as jnp
from jax import lax
from jax.experimental import pallas as pl
from jax.experimental.pallas import tpu as pltpu
from jax.experimental.pallas import tpu_sc as plsc

_DIM = 32
_NE = 8192
_M = 16384
_BM = 1024
_NB = _M // _BM
_CHUNK = 4096

_NW = 32
_BPW = _M // _NW
_CH = 128
_NCH = _BPW // _CH


def _argmin_body(f_ref, f2_ref, d_ref, idx_ref, mind_ref, sumabs_ref):
    f = f_ref[...]
    f2 = f2_ref[...]
    d = d_ref[...]
    d2 = jnp.sum(d * d, axis=0, keepdims=True)
    fd = jnp.dot(f.astype(jnp.bfloat16), d.astype(jnp.bfloat16),
                 preferred_element_type=jnp.float32)
    dist = (f2 - 2.0 * fd) + d2
    cur_q = jnp.full((_BM,), jnp.inf, jnp.float32)
    cur_v = jnp.full((_BM,), jnp.inf, jnp.float32)
    cur_i = jnp.zeros((_BM,), jnp.int32)
    for w in range(_NE // _CHUNK):
        blk = dist[:, w * _CHUNK:(w + 1) * _CHUNK]
        bi = jnp.argmin(blk, axis=1).astype(jnp.int32)
        bv = jnp.min(blk, axis=1)
        upd = bv < cur_q
        cur_i = jnp.where(upd, bi + w * _CHUNK, cur_i)
        cur_v = jnp.where(upd, bv, cur_v)
        cur_q = jnp.where(upd, bv.astype(jnp.bfloat16).astype(jnp.float32),
                          cur_q)
    idx_ref[...] = cur_i.reshape(1, 1, _BM)
    mind_ref[...] = cur_v.reshape(1, 1, _BM)

    @pl.when(pl.program_id(0) == 0)
    def _():
        sumabs_ref[...] = jnp.full((8, 128), jnp.sum(jnp.abs(d)), jnp.float32)


_argmin_call = pl.pallas_call(
    _argmin_body,
    grid=(_NB,),
    in_specs=[
        pl.BlockSpec((_BM, _DIM), lambda i: (i, 0)),
        pl.BlockSpec((_BM, 1), lambda i: (i, 0)),
        pl.BlockSpec((_DIM, _NE), lambda i: (0, 0)),
    ],
    out_specs=[
        pl.BlockSpec((1, 1, _BM), lambda i: (i, 0, 0)),
        pl.BlockSpec((1, 1, _BM), lambda i: (i, 0, 0)),
        pl.BlockSpec((8, 128), lambda i: (0, 0)),
    ],
    out_shape=[
        jax.ShapeDtypeStruct((_NB, 1, _BM), jnp.int32),
        jax.ShapeDtypeStruct((_NB, 1, _BM), jnp.float32),
        jax.ShapeDtypeStruct((8, 128), jnp.float32),
    ],
)

@functools.cache
def _make_gather_sc():
    mesh = plsc.VectorSubcoreMesh(core_axis_name="c", subcore_axis_name="s")

    @functools.partial(
        pl.kernel,
        mesh=mesh,
        compiler_params=pltpu.CompilerParams(use_tc_tiling_on_sc=False),
        out_type=jax.ShapeDtypeStruct((_M, _DIM), jnp.float32),
        scratch_types=[
            pltpu.VMEM((_NCH, _CH), jnp.int32),
            pltpu.VMEM((_BPW, _DIM), jnp.float32),
            pltpu.SemaphoreType.DMA,
        ],
    )
    def _gather_sc(table_hbm, idx_hbm, out_hbm, idx_v, rows_v, sem):
        wid = lax.axis_index("s") * 2 + lax.axis_index("c")
        pltpu.sync_copy(idx_hbm.at[pl.ds(wid * _NCH, _NCH)], idx_v)
        copies = [
            pltpu.async_copy(table_hbm.at[idx_v.at[j]],
                             rows_v.at[pl.ds(j * _CH, _CH)], sem)
            for j in range(_NCH)
        ]
        for c in copies:
            c.wait()
        pltpu.sync_copy(rows_v, out_hbm.at[pl.ds(wid * _BPW, _BPW)])

    return _gather_sc


def kernel(x, dictionary):
    b, d, h, w = x.shape
    f = jnp.transpose(x, (0, 2, 3, 1)).reshape(_M, _DIM)
    f2 = jnp.sum(f * f, axis=1, keepdims=True)
    idx3, mind3, sumabs = _argmin_call(f, f2, dictionary)
    idx = idx3.reshape(_M)
    table = jnp.transpose(dictionary)
    q = _make_gather_sc()(table, idx.reshape(_M // _CH, _CH))

    diff = jnp.sum(mind3) / (_M * _DIM)
    mean_D = sumabs[0, 0] / (_DIM * _NE)
    out = jnp.transpose(q.reshape(b, h, w, d), (0, 3, 1, 2))
    embed_ind = idx.reshape(b, h, w)
    one = jnp.ones((1,), dtype=jnp.float32)
    return (out, diff, jnp.zeros((0,), dtype=jnp.float32), embed_ind,
            one, mean_D, one, one, one, jnp.zeros((1,), dtype=jnp.float32))

# --- scband reference (transcript-rebuilt; emitter-appended) ---
"""Pipeline reference for scband-vanilla-quantize-62586263437527 (READ-ONLY COPY).

The authoritative reference and input builder live on the scoring server;
editing this copy changes nothing except your own understanding.
"""

import jax, jax.numpy as jnp
import numpy as np

DIM = 32
N_EMBED = 8192

def setup_inputs(seed: int = 0) -> dict:
    key = jax.random.key(seed)
    k1, k2 = jax.random.split(key)
    x = jax.random.normal(k1, (16, DIM, 32, 32), dtype=jnp.float32)
    dictionary = jax.random.normal(k2, (DIM, N_EMBED), dtype=jnp.float32)
    return {"x": x, "dictionary": dictionary}

def reference(x, dictionary):
    # eval-mode forward of VanillaQuantize (normalize flags off, no EMA buffer updates)
    dim = dictionary.shape[0]
    permuted_input = jnp.transpose(x, (0, 2, 3, 1))  # B,H,W,d
    flatten = permuted_input.reshape(-1, dim)
    dist = (jnp.sum(flatten * flatten, axis=1, keepdims=True)
            - 2.0 * (flatten @ dictionary)
            + jnp.sum(dictionary * dictionary, axis=0, keepdims=True))
    embed_ind = jnp.argmax(-dist, axis=1)
    embed_ind = embed_ind.reshape(permuted_input.shape[:-1])
    # embedding lookup: dictionary is (dim, n_embed); F.embedding uses its transpose
    quantize = jnp.take(jnp.transpose(dictionary), embed_ind, axis=0)
    diff = jnp.mean((jax.lax.stop_gradient(quantize) - permuted_input) ** 2)
    quantize_st = permuted_input + jax.lax.stop_gradient(quantize - permuted_input)
    out = jnp.transpose(quantize_st, (0, 3, 1, 2))
    num_quantization_steps = jnp.ones((1,), dtype=jnp.float32)
    mean_D = jax.lax.stop_gradient(jnp.mean(jnp.abs(dictionary)))
    mean_Z = jnp.ones((1,), dtype=jnp.float32)
    norm_Z = jnp.ones((1,), dtype=jnp.float32)
    top_percentile = jnp.ones((1,), dtype=jnp.float32)
    num_zeros = jnp.zeros((1,), dtype=jnp.float32)
    return (out, diff, jnp.zeros((0,), dtype=jnp.float32), embed_ind,
            num_quantization_steps, mean_D, mean_Z, norm_Z, top_percentile, num_zeros)

if __name__ == "__main__":
    import jax
    _d = setup_inputs()
    print(jax.jit(kernel)(*tuple(_d.values())))

</pallas_src>

<mosaic_0001>
#map = affine_map<(d0, d1) -> (0, 0)>
module attributes {stable_mosaic.version = 14 : i64} {
  func.func @_gather_sc(%arg0: i32, %arg1: i32, %arg2: memref<8192x32xf32, #tpu.memory_space<hbm>>, %arg3: memref<128x128xi32, #tpu.memory_space<hbm>>, %arg4: memref<16384x32xf32, #tpu.memory_space<hbm>>, %arg5: memref<4x128xi32, #tpu.memory_space<vmem>>, %arg6: memref<512x32xf32, #tpu.memory_space<vmem>>, %arg7: memref<!tpu.dma_semaphore, #tpu.memory_space<semaphore_mem>>) attributes {dimension_semantics = [#tpu.dimension_semantics<core_parallel>, #tpu.dimension_semantics<subcore_parallel>], iteration_bounds = array<i64: 2, 16>, scalar_prefetch = 0 : i64, scratch_operands = 3 : i64, tpu.core_type = #tpu.core_type<sc_vector_subcore>, window_params = [{transform_indices = #map}, {transform_indices = #map}, {transform_indices = #map}]} {
    %mul3A = arith.constant 2 : i32
    %mul3A_0 = arith.muli %arg1, %mul3A : i32
    %add3A = arith.addi %mul3A_0, %arg0 : i32
    %mul3A_1 = arith.constant 4 : i32
    %mul3A_2 = arith.muli %add3A, %mul3A_1 : i32
    "tpu.region"() ({
      %run_scoped3A = tpu.sem_alloc : memref<!tpu.dma_semaphore, #tpu.memory_space<semaphore_mem>>
      %dma_start3A_83 = arith.constant 0 : i32
      %dma_start3A_84 = tpu.memref_slice %arg3[%mul3A_2, %dma_start3A_83] : memref<128x128xi32, #tpu.memory_space<hbm>> -> memref<4x128xi32, #tpu.memory_space<hbm>>
      %dma_start3A_85 = arith.constant 0 : i32
      %dma_start3A_86 = tpu.memref_slice %arg3[%mul3A_2, %dma_start3A_85] : memref<128x128xi32, #tpu.memory_space<hbm>> -> memref<4x128xi32, #tpu.memory_space<hbm>>
      tpu.enqueue_dma source(%dma_start3A_86 : memref<4x128xi32, #tpu.memory_space<hbm>>) target(%arg5 : memref<4x128xi32, #tpu.memory_space<vmem>>) target_semaphore(%run_scoped3A : memref<!tpu.dma_semaphore, #tpu.memory_space<semaphore_mem>>)
      %dma_wait3A_87 = arith.constant 0 : i32
      %dma_wait3A_88 = tpu.memref_slice %arg3[%mul3A_2, %dma_wait3A_87] : memref<128x128xi32, #tpu.memory_space<hbm>> -> memref<4x128xi32, #tpu.memory_space<hbm>>
      %dma_wait3A_89 = arith.constant 0 : i32
      %dma_wait3A_90 = tpu.memref_slice %arg3[%mul3A_2, %dma_wait3A_89] : memref<128x128xi32, #tpu.memory_space<hbm>> -> memref<4x128xi32, #tpu.memory_space<hbm>>
      tpu.wait_dma2 semaphore(%run_scoped3A : memref<!tpu.dma_semaphore, #tpu.memory_space<semaphore_mem>>) src(%dma_wait3A_90 : memref<4x128xi32, #tpu.memory_space<hbm>>) dst(%arg5 : memref<4x128xi32, #tpu.memory_space<vmem>>)
      tpu.yield
    }) : () -> ()
    %dma_start3A = arith.constant 0 : i32
    %dma_start3A_3 = arith.constant 0 : i32
    %dma_start3A_4 = arith.constant 0 : i32
    %dma_start3A_5 = tpu.memref_slice %arg6[%dma_start3A_3, %dma_start3A_4] : memref<512x32xf32, #tpu.memory_space<vmem>> -> memref<128x32xf32, #tpu.memory_space<vmem>>
    %dma_start3A_6 = arith.constant 0 : i32
    %dma_start3A_7 = tpu.memref_slice %arg5[%dma_start3A, %dma_start3A_6] : memref<4x128xi32, #tpu.memory_space<vmem>> -> memref<1x128xi32, #tpu.memory_space<vmem>>
    %dma_start3A_8 = tpu.memref_squeeze %dma_start3A_7 : memref<1x128xi32, #tpu.memory_space<vmem>> -> memref<128xi32, #tpu.memory_space<vmem>>
    %dma_start3A_9 = arith.constant 0 : i32
    %dma_start3A_10 = arith.constant 0 : i32
    %dma_start3A_11 = tpu.memref_slice %arg2[%dma_start3A_9, %dma_start3A_10] : memref<8192x32xf32, #tpu.memory_space<hbm>> -> memref<8192x32xf32, #tpu.memory_space<hbm>>
    tpu.enqueue_indirect_dma source(%dma_start3A_11 : memref<8192x32xf32, #tpu.memory_space<hbm>>) target(%dma_start3A_5 : memref<128x32xf32, #tpu.memory_space<vmem>>) offsets(%dma_start3A_8 : memref<128xi32, #tpu.memory_space<vmem>>) semaphore(%arg7 : memref<!tpu.dma_semaphore, #tpu.memory_space<semaphore_mem>>)
    %dma_start3A_12 = arith.constant 1 : i32
    %dma_start3A_13 = arith.constant 128 : i32
    %dma_start3A_14 = arith.constant 0 : i32
    %dma_start3A_15 = tpu.memref_slice %arg6[%dma_start3A_13, %dma_start3A_14] : memref<512x32xf32, #tpu.memory_space<vmem>> -> memref<128x32xf32, #tpu.memory_space<vmem>>
    %dma_start3A_16 = arith.constant 0 : i32
    %dma_start3A_17 = tpu.memref_slice %arg5[%dma_start3A_12, %dma_start3A_16] : memref<4x128xi32, #tpu.memory_space<vmem>> -> memref<1x128xi32, #tpu.memory_space<vmem>>
    %dma_start3A_18 = tpu.memref_squeeze %dma_start3A_17 : memref<1x128xi32, #tpu.memory_space<vmem>> -> memref<128xi32, #tpu.memory_space<vmem>>
    %dma_start3A_19 = arith.constant 0 : i32
    %dma_start3A_20 = arith.constant 0 : i32
    %dma_start3A_21 = tpu.memref_slice %arg2[%dma_start3A_19, %dma_start3A_20] : memref<8192x32xf32, #tpu.memory_space<hbm>> -> memref<8192x32xf32, #tpu.memory_space<hbm>>
    tpu.enqueue_indirect_dma source(%dma_start3A_21 : memref<8192x32xf32, #tpu.memory_space<hbm>>) target(%dma_start3A_15 : memref<128x32xf32, #tpu.memory_space<vmem>>) offsets(%dma_start3A_18 : memref<128xi32, #tpu.memory_space<vmem>>) semaphore(%arg7 : memref<!tpu.dma_semaphore, #tpu.memory_space<semaphore_mem>>)
    %dma_start3A_22 = arith.constant 2 : i32
    %dma_start3A_23 = arith.constant 256 : i32
    %dma_start3A_24 = arith.constant 0 : i32
    %dma_start3A_25 = tpu.memref_slice %arg6[%dma_start3A_23, %dma_start3A_24] : memref<512x32xf32, #tpu.memory_space<vmem>> -> memref<128x32xf32, #tpu.memory_space<vmem>>
    %dma_start3A_26 = arith.constant 0 : i32
    %dma_start3A_27 = tpu.memref_slice %arg5[%dma_start3A_22, %dma_start3A_26] : memref<4x128xi32, #tpu.memory_space<vmem>> -> memref<1x128xi32, #tpu.memory_space<vmem>>
    %dma_start3A_28 = tpu.memref_squeeze %dma_start3A_27 : memref<1x128xi32, #tpu.memory_space<vmem>> -> memref<128xi32, #tpu.memory_space<vmem>>
    %dma_start3A_29 = arith.constant 0 : i32
    %dma_start3A_30 = arith.constant 0 : i32
    %dma_start3A_31 = tpu.memref_slice %arg2[%dma_start3A_29, %dma_start3A_30] : memref<8192x32xf32, #tpu.memory_space<hbm>> -> memref<8192x32xf32, #tpu.memory_space<hbm>>
    tpu.enqueue_indirect_dma source(%dma_start3A_31 : memref<8192x32xf32, #tpu.memory_space<hbm>>) target(%dma_start3A_25 : memref<128x32xf32, #tpu.memory_space<vmem>>) offsets(%dma_start3A_28 : memref<128xi32, #tpu.memory_space<vmem>>) semaphore(%arg7 : memref<!tpu.dma_semaphore, #tpu.memory_space<semaphore_mem>>)
    %dma_start3A_32 = arith.constant 3 : i32
    %dma_start3A_33 = arith.constant 384 : i32
    %dma_start3A_34 = arith.constant 0 : i32
    %dma_start3A_35 = tpu.memref_slice %arg6[%dma_start3A_33, %dma_start3A_34] : memref<512x32xf32, #tpu.memory_space<vmem>> -> memref<128x32xf32, #tpu.memory_space<vmem>>
    %dma_start3A_36 = arith.constant 0 : i32
    %dma_start3A_37 = tpu.memref_slice %arg5[%dma_start3A_32, %dma_start3A_36] : memref<4x128xi32, #tpu.memory_space<vmem>> -> memref<1x128xi32, #tpu.memory_space<vmem>>
    %dma_start3A_38 = tpu.memref_squeeze %dma_start3A_37 : memref<1x128xi32, #tpu.memory_space<vmem>> -> memref<128xi32, #tpu.memory_space<vmem>>
    %dma_start3A_39 = arith.constant 0 : i32
    %dma_start3A_40 = arith.constant 0 : i32
    %dma_start3A_41 = tpu.memref_slice %arg2[%dma_start3A_39, %dma_start3A_40] : memref<8192x32xf32, #tpu.memory_space<hbm>> -> memref<8192x32xf32, #tpu.memory_space<hbm>>
    tpu.enqueue_indirect_dma source(%dma_start3A_41 : memref<8192x32xf32, #tpu.memory_space<hbm>>) target(%dma_start3A_35 : memref<128x32xf32, #tpu.memory_space<vmem>>) offsets(%dma_start3A_38 : memref<128xi32, #tpu.memory_space<vmem>>) semaphore(%arg7 : memref<!tpu.dma_semaphore, #tpu.memory_space<semaphore_mem>>)
    %dma_wait3A = arith.constant 0 : i32
    %dma_wait3A_42 = arith.constant 0 : i32
    %dma_wait3A_43 = arith.constant 0 : i32
    %dma_wait3A_44 = tpu.memref_slice %arg6[%dma_wait3A_42, %dma_wait3A_43] : memref<512x32xf32, #tpu.memory_space<vmem>> -> memref<128x32xf32, #tpu.memory_space<vmem>>
    %dma_wait3A_45 = arith.constant 0 : i32
    %dma_wait3A_46 = tpu.memref_slice %arg5[%dma_wait3A, %dma_wait3A_45] : memref<4x128xi32, #tpu.memory_space<vmem>> -> memref<1x128xi32, #tpu.memory_space<vmem>>
    %dma_wait3A_47 = tpu.memref_squeeze %dma_wait3A_46 : memref<1x128xi32, #tpu.memory_space<vmem>> -> memref<128xi32, #tpu.memory_space<vmem>>
    %dma_wait3A_48 = arith.constant 0 : i32
    %dma_wait3A_49 = arith.constant 0 : i32
    %dma_wait3A_50 = tpu.memref_slice %arg2[%dma_wait3A_48, %dma_wait3A_49] : memref<8192x32xf32, #tpu.memory_space<hbm>> -> memref<8192x32xf32, #tpu.memory_space<hbm>>
    tpu.wait_indirect_dma semaphore(%arg7 : memref<!tpu.dma_semaphore, #tpu.memory_space<semaphore_mem>>) src(%dma_wait3A_50 : memref<8192x32xf32, #tpu.memory_space<hbm>>) dst(%dma_wait3A_44 : memref<128x32xf32, #tpu.memory_space<vmem>>)
    %dma_wait3A_51 = arith.constant 1 : i32
    %dma_wait3A_52 = arith.constant 128 : i32
    %dma_wait3A_53 = arith.constant 0 : i32
    %dma_wait3A_54 = tpu.memref_slice %arg6[%dma_wait3A_52, %dma_wait3A_53] : memref<512x32xf32, #tpu.memory_space<vmem>> -> memref<128x32xf32, #tpu.memory_space<vmem>>
    %dma_wait3A_55 = arith.constant 0 : i32
    %dma_wait3A_56 = tpu.memref_slice %arg5[%dma_wait3A_51, %dma_wait3A_55] : memref<4x128xi32, #tpu.memory_space<vmem>> -> memref<1x128xi32, #tpu.memory_space<vmem>>
    %dma_wait3A_57 = tpu.memref_squeeze %dma_wait3A_56 : memref<1x128xi32, #tpu.memory_space<vmem>> -> memref<128xi32, #tpu.memory_space<vmem>>
    %dma_wait3A_58 = arith.constant 0 : i32
    %dma_wait3A_59 = arith.constant 0 : i32
    %dma_wait3A_60 = tpu.memref_slice %arg2[%dma_wait3A_58, %dma_wait3A_59] : memref<8192x32xf32, #tpu.memory_space<hbm>> -> memref<8192x32xf32, #tpu.memory_space<hbm>>
    tpu.wait_indirect_dma semaphore(%arg7 : memref<!tpu.dma_semaphore, #tpu.memory_space<semaphore_mem>>) src(%dma_wait3A_60 : memref<8192x32xf32, #tpu.memory_space<hbm>>) dst(%dma_wait3A_54 : memref<128x32xf32, #tpu.memory_space<vmem>>)
    %dma_wait3A_61 = arith.constant 2 : i32
    %dma_wait3A_62 = arith.constant 256 : i32
    %dma_wait3A_63 = arith.constant 0 : i32
    %dma_wait3A_64 = tpu.memref_slice %arg6[%dma_wait3A_62, %dma_wait3A_63] : memref<512x32xf32, #tpu.memory_space<vmem>> -> memref<128x32xf32, #tpu.memory_space<vmem>>
    %dma_wait3A_65 = arith.constant 0 : i32
    %dma_wait3A_66 = tpu.memref_slice %arg5[%dma_wait3A_61, %dma_wait3A_65] : memref<4x128xi32, #tpu.memory_space<vmem>> -> memref<1x128xi32, #tpu.memory_space<vmem>>
    %dma_wait3A_67 = tpu.memref_squeeze %dma_wait3A_66 : memref<1x128xi32, #tpu.memory_space<vmem>> -> memref<128xi32, #tpu.memory_space<vmem>>
    %dma_wait3A_68 = arith.constant 0 : i32
    %dma_wait3A_69 = arith.constant 0 : i32
    %dma_wait3A_70 = tpu.memref_slice %arg2[%dma_wait3A_68, %dma_wait3A_69] : memref<8192x32xf32, #tpu.memory_space<hbm>> -> memref<8192x32xf32, #tpu.memory_space<hbm>>
    tpu.wait_indirect_dma semaphore(%arg7 : memref<!tpu.dma_semaphore, #tpu.memory_space<semaphore_mem>>) src(%dma_wait3A_70 : memref<8192x32xf32, #tpu.memory_space<hbm>>) dst(%dma_wait3A_64 : memref<128x32xf32, #tpu.memory_space<vmem>>)
    %dma_wait3A_71 = arith.constant 3 : i32
    %dma_wait3A_72 = arith.constant 384 : i32
    %dma_wait3A_73 = arith.constant 0 : i32
    %dma_wait3A_74 = tpu.memref_slice %arg6[%dma_wait3A_72, %dma_wait3A_73] : memref<512x32xf32, #tpu.memory_space<vmem>> -> memref<128x32xf32, #tpu.memory_space<vmem>>
    %dma_wait3A_75 = arith.constant 0 : i32
    %dma_wait3A_76 = tpu.memref_slice %arg5[%dma_wait3A_71, %dma_wait3A_75] : memref<4x128xi32, #tpu.memory_space<vmem>> -> memref<1x128xi32, #tpu.memory_space<vmem>>
    %dma_wait3A_77 = tpu.memref_squeeze %dma_wait3A_76 : memref<1x128xi32, #tpu.memory_space<vmem>> -> memref<128xi32, #tpu.memory_space<vmem>>
    %dma_wait3A_78 = arith.constant 0 : i32
    %dma_wait3A_79 = arith.constant 0 : i32
    %dma_wait3A_80 = tpu.memref_slice %arg2[%dma_wait3A_78, %dma_wait3A_79] : memref<8192x32xf32, #tpu.memory_space<hbm>> -> memref<8192x32xf32, #tpu.memory_space<hbm>>
    tpu.wait_indirect_dma semaphore(%arg7 : memref<!tpu.dma_semaphore, #tpu.memory_space<semaphore_mem>>) src(%dma_wait3A_80 : memref<8192x32xf32, #tpu.memory_space<hbm>>) dst(%dma_wait3A_74 : memref<128x32xf32, #tpu.memory_space<vmem>>)
    %mul3A_81 = arith.constant 512 : i32
    %mul3A_82 = arith.muli %add3A, %mul3A_81 : i32
    "tpu.region"() ({
      %run_scoped3A = tpu.sem_alloc : memref<!tpu.dma_semaphore, #tpu.memory_space<semaphore_mem>>
      %dma_start3A_83 = arith.constant 0 : i32
      %dma_start3A_84 = tpu.memref_slice %arg4[%mul3A_82, %dma_start3A_83] : memref<16384x32xf32, #tpu.memory_space<hbm>> -> memref<512x32xf32, #tpu.memory_space<hbm>>
      %dma_start3A_85 = arith.constant 0 : i32
      %dma_start3A_86 = tpu.memref_slice %arg4[%mul3A_82, %dma_start3A_85] : memref<16384x32xf32, #tpu.memory_space<hbm>> -> memref<512x32xf32, #tpu.memory_space<hbm>>
      tpu.enqueue_dma source(%arg6 : memref<512x32xf32, #tpu.memory_space<vmem>>) target(%dma_start3A_86 : memref<512x32xf32, #tpu.memory_space<hbm>>) target_semaphore(%run_scoped3A : memref<!tpu.dma_semaphore, #tpu.memory_space<semaphore_mem>>)
      %dma_wait3A_87 = arith.constant 0 : i32
      %dma_wait3A_88 = tpu.memref_slice %arg4[%mul3A_82, %dma_wait3A_87] : memref<16384x32xf32, #tpu.memory_space<hbm>> -> memref<512x32xf32, #tpu.memory_space<hbm>>
      %dma_wait3A_89 = arith.constant 0 : i32
      %dma_wait3A_90 = tpu.memref_slice %arg4[%mul3A_82, %dma_wait3A_89] : memref<16384x32xf32, #tpu.memory_space<hbm>> -> memref<512x32xf32, #tpu.memory_space<hbm>>
      tpu.wait_dma2 semaphore(%run_scoped3A : memref<!tpu.dma_semaphore, #tpu.memory_space<semaphore_mem>>) src(%arg6 : memref<512x32xf32, #tpu.memory_space<vmem>>) dst(%dma_wait3A_90 : memref<512x32xf32, #tpu.memory_space<hbm>>)
      tpu.yield
    }) : () -> ()
    return
  }
}

module attributes {stable_mosaic.version = 14 : i64} {
  func.func @_argmin_body(%arg0: i32, %arg1: memref<1024x32xf32, #tpu.memory_space<vmem>>, %arg2: memref<1024x1xf32, #tpu.memory_space<vmem>>, %arg3: memref<32x8192xf32, #tpu.memory_space<vmem>>, %arg4: memref<1x1x1024xi32, #tpu.memory_space<vmem>>, %arg5: memref<1x1x1024xf32, #tpu.memory_space<vmem>>, %arg6: memref<8x128xf32, #tpu.memory_space<vmem>>) attributes {dimension_semantics = [#tpu.dimension_semantics<arbitrary>], iteration_bounds = array<i64: 16>, scalar_prefetch = 0 : i64, scratch_operands = 0 : i64, tpu.core_type = #tpu.core_type<tc>, window_params = [{transform_indices = @transform_0, window_bounds = array<i64: 1024, 32>}, {transform_indices = @transform_1, window_bounds = array<i64: 1024, 1>}, {pipeline_mode = #tpu.pipeline_mode<synchronous>, transform_indices = @transform_2, window_bounds = array<i64: 32, 8192>}, {transform_indices = @transform_3, window_bounds = array<i64: 1, 1, 1024>}, {transform_indices = @transform_4, window_bounds = array<i64: 1, 1, 1024>}, {pipeline_mode = #tpu.pipeline_mode<synchronous>, transform_indices = @transform_5, window_bounds = array<i64: 8, 128>}]} {
    %get3A = arith.constant 0 : index
    %get3A_0 = arith.constant 0 : index
    %get3A_1 = vector.load %arg1[%get3A, %get3A_0] : memref<1024x32xf32, #tpu.memory_space<vmem>>, vector<1024x32xf32>
    %get3A_2 = arith.constant 0 : index
    %get3A_3 = arith.constant 0 : index
    %get3A_4 = vector.load %arg2[%get3A_2, %get3A_3] : memref<1024x1xf32, #tpu.memory_space<vmem>>, vector<1024x1xf32>
    %get3A_5 = arith.constant 0 : index
    %get3A_6 = arith.constant 0 : index
    %get3A_7 = vector.load %arg3[%get3A_5, %get3A_6] : memref<32x8192xf32, #tpu.memory_space<vmem>>, vector<32x8192xf32>
    %mul3A = arith.mulf %get3A_7, %get3A_7 : vector<32x8192xf32>
    %reduce_sum3A = arith.constant dense<0.000000e+00> : vector<8192xf32>
    %reduce_sum3A_8 = vector.multi_reduction <add>, %mul3A, %reduce_sum3A [0] : vector<32x8192xf32> to vector<8192xf32>
    %broadcast_in_dim3A = vector.shape_cast %reduce_sum3A_8 : vector<8192xf32> to vector<1x8192xf32>
    %convert_element_type3A = arith.truncf %get3A_1 : vector<1024x32xf32> to vector<1024x32xbf16>
    %convert_element_type3A_9 = arith.truncf %get3A_7 : vector<32x8192xf32> to vector<32x8192xbf16>
    %dot_general3A = arith.constant dense<0.000000e+00> : vector<1024x8192xf32>
    %dot_general3A_10 = tpu.matmul %convert_element_type3A, %convert_element_type3A_9, %dot_general3A {dimension_numbers = #tpu.dot_dimension_numbers<[1], [0], [0], [1], [0, 0, 1, 1], [], []>, transpose_lhs_hint = false} : vector<1024x32xbf16>, vector<32x8192xbf16>, vector<1024x8192xf32> -> vector<1024x8192xf32>
    %mul3A_11 = arith.constant 2.000000e+00 : f32
    %mul3A_12 = vector.broadcast %mul3A_11 : f32 to vector<1024x8192xf32>
    %mul3A_13 = arith.mulf %mul3A_12, %dot_general3A_10 : vector<1024x8192xf32>
    %sub3A = vector.broadcast %get3A_4 : vector<1024x1xf32> to vector<1024x8192xf32>
    %sub3A_14 = arith.subf %sub3A, %mul3A_13 : vector<1024x8192xf32>
    %add3A = vector.broadcast %broadcast_in_dim3A : vector<1x8192xf32> to vector<1024x8192xf32>
    %add3A_15 = arith.addf %sub3A_14, %add3A : vector<1024x8192xf32>
    %broadcast_in_dim3A_16 = arith.constant 0x7F800000 : f32
    %broadcast_in_dim3A_17 = vector.broadcast %broadcast_in_dim3A_16 : f32 to vector<1024xf32>
    %broadcast_in_dim3A_18 = arith.constant 0x7F800000 : f32
    %broadcast_in_dim3A_19 = vector.broadcast %broadcast_in_dim3A_18 : f32 to vector<1024xf32>
    %broadcast_in_dim3A_20 = arith.constant 0 : i32
    %broadcast_in_dim3A_21 = vector.broadcast %broadcast_in_dim3A_20 : i32 to vector<1024xi32>
    %slice3A = vector.extract_strided_slice %add3A_15 {offsets = [0, 0], sizes = [1024, 4096], strides = [1, 1]} : vector<1024x8192xf32> to vector<1024x4096xf32>
    %argmin3A = tpu.reduce_index %slice3A {axis = 1 : i32, kind = #tpu.reduction_kind<arg_min>} : vector<1024x4096xf32> -> vector<1024xi32>
    %reduce_min3A = arith.constant dense<0x7F800000> : vector<1024xf32>
    %reduce_min3A_22 = vector.multi_reduction <minimumf>, %slice3A, %reduce_min3A [1] : vector<1024x4096xf32> to vector<1024xf32>
    %lt3A = arith.cmpf olt, %reduce_min3A_22, %broadcast_in_dim3A_17 : vector<1024xf32>
    %add3A_23 = arith.constant 0 : i32
    %add3A_24 = vector.broadcast %add3A_23 : i32 to vector<1024xi32>
    %add3A_25 = arith.addi %argmin3A, %add3A_24 : vector<1024xi32>
    %select_n3A = arith.select %lt3A, %add3A_25, %broadcast_in_dim3A_21 : vector<1024xi1>, vector<1024xi32>
    %select_n3A_26 = arith.select %lt3A, %reduce_min3A_22, %broadcast_in_dim3A_19 : vector<1024xi1>, vector<1024xf32>
    %convert_element_type3A_27 = arith.truncf %reduce_min3A_22 : vector<1024xf32> to vector<1024xbf16>
    %convert_element_type3A_28 = arith.extf %convert_element_type3A_27 : vector<1024xbf16> to vector<1024xf32>
    %select_n3A_29 = arith.select %lt3A, %convert_element_type3A_28, %broadcast_in_dim3A_17 : vector<1024xi1>, vector<1024xf32>
    %slice3A_30 = vector.extract_strided_slice %add3A_15 {offsets = [0, 4096], sizes = [1024, 4096], strides = [1, 1]} : vector<1024x8192xf32> to vector<1024x4096xf32>
    %argmin3A_31 = tpu.reduce_index %slice3A_30 {axis = 1 : i32, kind = #tpu.reduction_kind<arg_min>} : vector<1024x4096xf32> -> vector<1024xi32>
    %reduce_min3A_32 = arith.constant dense<0x7F800000> : vector<1024xf32>
    %reduce_min3A_33 = vector.multi_reduction <minimumf>, %slice3A_30, %reduce_min3A_32 [1] : vector<1024x4096xf32> to vector<1024xf32>
    %lt3A_34 = arith.cmpf olt, %reduce_min3A_33, %select_n3A_29 : vector<1024xf32>
    %add3A_35 = arith.constant 4096 : i32
    %add3A_36 = vector.broadcast %add3A_35 : i32 to vector<1024xi32>
    %add3A_37 = arith.addi %argmin3A_31, %add3A_36 : vector<1024xi32>
    %select_n3A_38 = arith.select %lt3A_34, %add3A_37, %select_n3A : vector<1024xi1>, vector<1024xi32>
    %select_n3A_39 = arith.select %lt3A_34, %reduce_min3A_33, %select_n3A_26 : vector<1024xi1>, vector<1024xf32>
    %reshape3A = vector.shape_cast %select_n3A_38 : vector<1024xi32> to vector<1x1x1024xi32>
    %swap3A = arith.constant 0 : index
    %swap3A_40 = arith.constant 0 : index
    %swap3A_41 = arith.constant 0 : index
    %swap3A_42 = vector.load %arg4[%swap3A, %swap3A_40, %swap3A_41] : memref<1x1x1024xi32, #tpu.memory_space<vmem>>, vector<1x1x1024xi32>
    tpu.vector_store %arg4[%swap3A, %swap3A_40, %swap3A_41], %reshape3A {strides = array<i32>} : memref<1x1x1024xi32, #tpu.memory_space<vmem>>, vector<1x1x1024xi32>,
    %reshape3A_43 = vector.shape_cast %select_n3A_39 : vector<1024xf32> to vector<1x1x1024xf32>
    %swap3A_44 = arith.constant 0 : index
    %swap3A_45 = arith.constant 0 : index
    %swap3A_46 = arith.constant 0 : index
    %swap3A_47 = vector.load %arg5[%swap3A_44, %swap3A_45, %swap3A_46] : memref<1x1x1024xf32, #tpu.memory_space<vmem>>, vector<1x1x1024xf32>
    tpu.vector_store %arg5[%swap3A_44, %swap3A_45, %swap3A_46], %reshape3A_43 {strides = array<i32>} : memref<1x1x1024xf32, #tpu.memory_space<vmem>>, vector<1x1x1024xf32>,
    %eq3A = arith.constant 0 : i32
    %eq3A_48 = arith.cmpi eq, %arg0, %eq3A : i32
    %convert_element_type3A_49 = arith.extui %eq3A_48 : i1 to i32
    %cond3A = arith.constant 0 : i32
    %cond3A_50 = arith.cmpi ne, %convert_element_type3A_49, %cond3A : i32
    scf.if %cond3A_50 {
      %abs3A = math.absf %get3A_7 : vector<32x8192xf32>
      %reduce_sum3A_51 = vector.shape_cast %abs3A : vector<32x8192xf32> to vector<1x32x8192xf32>
      %reduce_sum3A_52 = arith.constant dense<0.000000e+00> : vector<1xf32>
      %reduce_sum3A_53 = vector.multi_reduction <add>, %reduce_sum3A_51, %reduce_sum3A_52 [1, 2] : vector<1x32x8192xf32> to vector<1xf32>
      %reduce_sum3A_54 = vector.shape_cast %reduce_sum3A_53 : vector<1xf32> to vector<1x1x1xf32>
      %reduce_sum3A_55 = vector.extract %reduce_sum3A_54[0, 0, 0] : f32 from vector<1x1x1xf32>
      %broadcast_in_dim3A_56 = vector.broadcast %reduce_sum3A_55 : f32 to vector<8x128xf32>
      %swap3A_57 = arith.constant 0 : index
      %swap3A_58 = arith.constant 0 : index
      %swap3A_59 = vector.load %arg6[%swap3A_57, %swap3A_58] : memref<8x128xf32, #tpu.memory_space<vmem>>, vector<8x128xf32>
      tpu.vector_store %arg6[%swap3A_57, %swap3A_58], %broadcast_in_dim3A_56 {strides = array<i32>} : memref<8x128xf32, #tpu.memory_space<vmem>>, vector<8x128xf32>,
    } else {
    }
    return
  }
  func.func @transform_0(%arg0: i32) -> (i32, i32) {
    %c0_i32 = arith.constant 0 : i32
    %c0_i32_0 = arith.constant 0 : i32
    return %arg0, %c0_i32 : i32, i32
  }
  func.func @transform_1(%arg0: i32) -> (i32, i32) {
    %c0_i32 = arith.constant 0 : i32
    %c0_i32_0 = arith.constant 0 : i32
    return %arg0, %c0_i32 : i32, i32
  }
  func.func @transform_2(%arg0: i32) -> (i32, i32) {
    %c0_i32 = arith.constant 0 : i32
    %c0_i32_0 = arith.constant 0 : i32
    %c0_i32_1 = arith.constant 0 : i32
    return %c0_i32, %c0_i32_0 : i32, i32
  }
  func.func @transform_3(%arg0: i32) -> (i32, i32, i32) {
    %c0_i32 = arith.constant 0 : i32
    %c0_i32_0 = arith.constant 0 : i32
    %c0_i32_1 = arith.constant 0 : i32
    return %arg0, %c0_i32, %c0_i32_0 : i32, i32, i32
  }
  func.func @transform_4(%arg0: i32) -> (i32, i32, i32) {
    %c0_i32 = arith.constant 0 : i32
    %c0_i32_0 = arith.constant 0 : i32
    %c0_i32_1 = arith.constant 0 : i32
    return %arg0, %c0_i32, %c0_i32_0 : i32, i32, i32
  }
  func.func @transform_5(%arg0: i32) -> (i32, i32) {
    %c0_i32 = arith.constant 0 : i32
    %c0_i32_0 = arith.constant 0 : i32
    %c0_i32_1 = arith.constant 0 : i32
    return %c0_i32, %c0_i32_0 : i32, i32
  }
}

</mosaic_0001>

<sc_bundles>
// kernel: kernel.4.cloned.1.call-start
scs
__scs_entry_jumppad:
0x0: {  	(pc) =	sbr.rel $0x88, $3  }
0x1: {  	(tag) =	ssettag $0x0;
	lr =	simm.s32 $0x1  }
0x2: {  	[smem:$0x3F9F] =	sst lr;
	_ =	strace $0xD0000000  }
0x3: {  	_ = 	snop  }
0x4: {  	_ = 	snop  }
0x5: {  	_ = 	snop  }
0x6: {  	_ = 	snop  }
0x7: {  	_ = 	snop  }
__scs_overlays_trampoline_lowered:
0x8: {  	[smem:$0x3FAE] =	sst s0  }
0x9: {  	[smem:$0x3FAF] =	sst s1  }
0xa: {  	[smem:$0x3FB0] =	sst s2  }
0xb: {  	[smem:$0x3FB1] =	sst s3  }
0xc: {  	[smem:$0x3FB2] =	sst s4  }
0xd: {  	[smem:$0x3FB3] =	sst s5  }
0xe: {  	[smem:$0x3FB4] =	sst s6  }
0xf: {  	[smem:$0x3FB5] =	sst s7  }
0x10: {  	[smem:$0x3FB6] =	sst s8  }
0x11: {  	[smem:$0x3FB7] =	sst s9;
	s0 =	simm.s32 @!p0 $0x0  }
0x12: {  	s1 =	sld [smem:$0x3F9D];
	s0 =	simm.s32 @p0 $0x1  }
0x13: {  	[smem:$0x3FB8] =	sst s0;
	s0 =	simm.s32 @!p1 $0x0  }
0x14: {  	s2 =	sld [smem:$0x3F9C];
	s0 =	simm.s32 @p1 $0x1  }
0x15: {  	[smem:$0x3FB9] =	sst s0;
	s0 =	simm.s32 @!p2 $0x0  }
0x16: {  	s3 =	sld [smem:$0x3FDB];
	s0 =	simm.s32 @p2 $0x1  }
0x17: {  	s4 =	simm.s32 $0x1BF5;
	[smem:$0x3FBB] =	sst s0  }
0x18: {  	s0 =	sld [smem:$0x3F9E];
	_ =	swait.ge [sflag:s4], $0x0  }
0x19: {  	s7 =	sld [smem:$0x3F9F]  }
0x1a: {  	s8 =	sadd.s32 $0xFFFFE003, lr  }
0x1b: {  	s9 =	sadd.s32 $0xFFFFFEF7, lr;
	s5 =	simm.s32 $0xFFFFFFFF;
	p2 =	slt.u32 s8, $0xFFFFF086  }
0x1c: {  	p1 =	slt.u32 s9, $0xF7A;
	s5 =	simm.s32 @!p2 $0x0  }
0x1d: {  	s5 =	simm.s32 @p1 $0x1;
	p0 =	seq.s32 s7, s2  }
0x1e: {  	s7 =	smul.u32 @!p0 $0xF7A, s2;
	p2 =	seq.s32 @!p0 s5, $0x0  }
0x1f: {  	s9 =	smul.u32 $0xF7A, s1;
	s8 =	simm.s32 @!p0 $0x1BF5;
	p2 =	por !p2, p0  }
0x20: {  	[sflag:s8] =	ssyncset.s32 @!p0 $0xFFFFF086;
	s6 =	sadd.s32 @!p0 s3, s7;
	s7 =	simm.s32 @!p0 $0x108  }
0x21: {  	s3 =	sadd.s32 s3, s9;
	s6 =	sadd.s32 @!p0 $0x88, s6;
	s7 =	simm.s32 @p2 $0x1082  }
0x22: {  	[simem:s7], [sflag:s8] =	dma.local @!p0 [hbm:s6], $0xF7A  }
0x23: {  	s9 =	sor.u32 $0xD0000000, s2;
	s6 =	simm.s32 $0x108;
	_ =	swait.ge @!p0 [sflag:s8], $0x0  }
0x24: {  	s3 =	sadd.s32 $0x88, s3;
	s6 =	simm.s32 @!p1 $0x1082;
	[sflag:s4] =	ssyncset.s32 $0xFFFFF086  }
0x25: {  	[simem:s6], [sflag:s4] =	dma.local [hbm:s3], $0xF7A  }
0x26: {  	[smem:$0x3F9F] =	sst s1;
	(tag) =	ssettag s2;
	_ =	strace s9  }
0x27: {  	s1 =	sld [smem:$0x3FAF]  }
0x28: {  	s2 =	sld [smem:$0x3FB0]  }
0x29: {  	s4 =	sld [smem:$0x3FB2]  }
0x2a: {  	p0 =	seq.s32 s5, $0x0;
	s5 =	sld [smem:$0x3FB3]  }
0x2b: {  	s6 =	sld [smem:$0x3FB4]  }
0x2c: {  	s7 =	sld [smem:$0x3FB5]  }
0x2d: {  	s3 =	simm.s32 $0x108;
	s8 =	sld [smem:$0x3FB6]  }
0x2e: {  	s3 =	simm.s32 @!p0 $0x1082;
	s9 =	sld [smem:$0x3FB7]  }
0x2f: {  	lr =	sadd.s32 s0, s3;
	s0 =	sld [smem:$0x3FAE]  }
0x30: {  	s3 =	sld [smem:$0x3FB1]  }
0x31: {  	[smem:$0x3FBA] =	sst s10  }
0x32: {  	s10 =	sld [smem:$0x3FB8];
	_ =	sdelay $0x3  }
0x33: {  	p0 =	seq.s32 s10, $0x1;
	s10 =	sld [smem:$0x3FBA];
	_ =	sdelay $0x3  }
0x34: {  	[smem:$0x3FBA] =	sst s10  }
0x35: {  	s10 =	sld [smem:$0x3FB9];
	_ =	sdelay $0x3  }
0x36: {  	p1 =	seq.s32 s10, $0x1;
	s10 =	sld [smem:$0x3FBA];
	_ =	sdelay $0x3  }
0x37: {  	[smem:$0x3FBA] =	sst s10  }
0x38: {  	s10 =	sld [smem:$0x3FBB]  }
0x39: {  	_ = 	snop;
	(pc) =	sbr.ind lr, $3  }
0x3a: {  	_ = 	snop  }
0x3b: {  	_ = 	snop  }
0x3c: {  	p2 =	seq.s32 s10, $0x1;
	s10 =	sld [smem:$0x3FBA]  }
0x3d: {  	_ =	shalt  }
0x3e: {  	_ =	shalt  }
0x3f: {  	_ =	shalt  }
0x40: {  	_ =	shalt  }
0x41: {  	_ =	shalt  }
0x42: {  	_ =	shalt  }
0x43: {  	_ =	shalt  }
0x44: {  	_ =	shalt  }
0x45: {  	_ =	shalt  }
0x46: {  	_ =	shalt  }
0x47: {  	_ =	shalt  }
0x48: {  	_ =	shalt  }
0x49: {  	_ =	shalt  }
0x4a: {  	_ =	shalt  }
0x4b: {  	_ =	shalt  }
0x4c: {  	_ =	shalt  }
0x4d: {  	_ =	shalt  }
0x4e: {  	_ =	shalt  }
0x4f: {  	_ =	shalt  }
0x50: {  	_ =	shalt  }
0x51: {  	_ =	shalt  }
0x52: {  	_ =	shalt  }
0x53: {  	_ =	shalt  }
0x54: {  	_ =	shalt  }
0x55: {  	_ =	shalt  }
0x56: {  	_ =	shalt  }
0x57: {  	_ =	shalt  }
0x58: {  	_ =	shalt  }
0x59: {  	_ =	shalt  }
0x5a: {  	_ =	shalt  }
0x5b: {  	_ =	shalt  }
0x5c: {  	_ =	shalt  }
0x5d: {  	_ =	shalt  }
0x5e: {  	_ =	shalt  }
0x5f: {  	_ =	shalt  }
0x60: {  	_ =	shalt  }
0x61: {  	_ =	shalt  }
0x62: {  	_ =	shalt  }
0x63: {  	_ =	shalt  }
0x64: {  	_ =	shalt  }
0x65: {  	_ =	shalt  }
0x66: {  	_ =	shalt  }
0x67: {  	_ =	shalt  }
0x68: {  	_ =	shalt  }
0x69: {  	_ =	shalt  }
0x6a: {  	_ =	shalt  }
0x6b: {  	_ =	shalt  }
0x6c: {  	_ =	shalt  }
0x6d: {  	_ =	shalt  }
0x6e: {  	_ =	shalt  }
0x6f: {  	_ =	shalt  }
0x70: {  	_ =	shalt  }
0x71: {  	_ =	shalt  }
0x72: {  	_ =	shalt  }
0x73: {  	_ =	shalt  }
0x74: {  	_ =	shalt  }
0x75: {  	_ =	shalt  }
0x76: {  	_ =	shalt  }
0x77: {  	_ =	shalt  }
0x78: {  	_ =	shalt  }
0x79: {  	_ =	shalt  }
0x7a: {  	_ =	shalt  }
0x7b: {  	_ =	shalt  }
0x7c: {  	_ =	shalt  }
0x7d: {  	_ =	shalt  }
0x7e: {  	_ =	shalt  }
0x7f: {  	_ =	shalt  }
0x80: {  	_ =	shalt  }
0x81: {  	_ =	shalt  }
0x82: {  	_ =	shalt  }
0x83: {  	_ =	shalt  }
0x84: {  	_ =	shalt  }
0x85: {  	_ =	shalt  }
0x86: {  	_ =	shalt  }
0x87: {  	_ =	shalt  }
.Lfunc_end0:
.L_simem_size_0:
called_computation_lowered:
.L_overlay_start_0:
0x88: {  	s2 =	sld [smem:$0x3FD9]  }
0x89: {  	s3 =	sld [smem:$0x3FFE];
	_ =	sdelay $0x1  }
0x8a: {  	s1 =	srdreg.scid  }
0x8b: {  	s0 =	sand.u32 $0x1, s1  }
0x8c: {  	s14 =	sshll.u32 s0, $0xA;
	s2 =	sadd.s32 s3, s2  }
0x8d: {  	s2 =	sadd.s32 s2, s14  }
0x8e: {  	[smem:$0x3FC6] =	sst s2  }
0x8f: {  	_ = 	snop  }
0x90: {  	s2 =	sld [smem:$0x3FD0];
	_ =	sdelay $0x2  }
0x91: {  	s15 =	simm.s32 $0xA;
	s4 =	simm.s32 $0x10  }
0x92: {  	[smem:s4], [sflag:s15] =	dma.local [hbm:s2], $0x1  }
0x93: {  	_ =	swait.eq [sflag:s15], $0x1  }
0x94: {  	[sflag:s15] =	ssyncset.done $0x0  }
0x95: {  	[sflag:s15] =	ssyncadd.s32 $0xFFFFFFFF  }
0x96: {  	s16 =	sld [smem:$0x10];
	(tm) =	ssettm $0x1  }
0x97: {  	s17 =	sld [smem:$0x3FFB];
	_ =	sdelay $0x3  }
0x98: {  	_ =	strace s17  }
0x99: {  	s3 =	sld [smem:$0x3FFC];
	_ =	sdelay $0x3  }
0x9a: {  	_ =	strace s3  }
0x9b: {  	s3 =	sld [smem:$0x3FFD];
	_ =	sdelay $0x3  }
0x9c: {  	_ =	strace s3  }
0x9d: {  	_ =	strace $0x8FFFFFFF  }
0x9e: {  	s18 =	sld [smem:$0x3FDB];
	_ =	sdelay $0x1  }
0x9f: {  	s19 =	simm.s32 $_scs_section_size  }
0xa0: {  	s5 =	simm.s32 $_size__tile_overlayer_lowered;
	s6 =	simm.s32 $_tile_overlayer_lowered  }
0xa1: {  	s22 =	simm.s32 $0x1BFF;
	s21 =	sshll.u32 s6, $0x1;
	s3 =	sadd.s32 s19, s18  }
0xa2: {  	s7 =	simm.s32 $0x0;
	s20 =	sshll.u32 s5, $0x1;
	s5 =	sadd.s32 s21, s3  }
0xa3: {  	[timem:s7], [sflag:s22] =	dma.local [hbm:s5], s20  }
0xa4: {  	_ =	swait.ge [sflag:s22], s20  }
0xa5: {  	s4 =	ssub.s32 $0x0, s20;
	[sflag:s22] =	ssyncset.done $0x0  }
0xa6: {  	[sflag:s22] =	ssyncadd.s32 s4;
	_ =	sdelay $0x1  }
0xa7: {  	s23 =	simm.s32 $0x1B8B  }
0xa8: {  	_ =	swait.ge [sflag:s23], $0x1  }
0xa9: {  	[sflag:s23] =	ssyncset.done $0x0  }
0xaa: {  	s25 =	simm.s32 $0x1B8E;
	s24 =	sld [smem:$0x3FFE];
	[sflag:s23] =	ssyncadd.s32 $0xFFFFFFFF  }
0xab: {  	s26 =	simm.s32 $execute0_lowered;
	[smem:$0x3FD2] =	sst s25  }
0xac: {  	s5 =	sshll.u32 s26, $0x1;
	_ =	strace $0x80000046;
	[dreg:$0x1] =	wrdreg $0xFFFFFFFF  }
0xad: {  	s28 =	simm.s32 $_size_execute0_lowered;
	s3 =	sadd.s32 s3, s5;
	[dreg:$0x0] =	wrdreg $0x0  }
0xae: {  	s5 =	sshll.u32 s28, $0x1;
	[dreg:$0x2] =	wrdreg s3  }
0xaf: {  	[dreg:$0x3] =	wrdreg s5  }
0xb0: {  	[dreg:$0x4] =	wrdreg $0xC0  }
0xb1: {  	_ =	task [dreg:s7], $0x5FFFF  }
0xb2: {  	[dreg:$0x1] =	wrdreg $0xFFFFFFFF  }
0xb3: {  	[dreg:$0x0] =	wrdreg $0x60  }
0xb4: {  	[dreg:$0x2] =	wrdreg s24  }
0xb5: {  	[dreg:$0x3] =	wrdreg s16  }
0xb6: {  	[dreg:$0x4] =	wrdreg $0x9  }
0xb7: {  	_ =	task.clear_ibuf [dreg:s7], $0x5FFFF;
	_ =	strace $0x90000046  }
0xb8: {  	s29 =	simm.s32 $0x9;
	_ =	strace $0x80000048  }
0xb9: {  	_ =	swait.ge [sflag:s29], $0x1  }
0xba: {  	[sflag:s29] =	ssyncadd.s32 $0xFFFFFFFF  }
0xbb: {  	_ =	strace $0x90000048  }
0xbc: {  	_ =	sfence  }
0xbd: {  	s30 =	sld [smem:$0x0];
	_ =	sdelay $0x2  }
0xbe: {  	s31 =	sshll.u32 s1, $0xD;
	s1 =	sshrl.u32 s1, $0x2  }
0xbf: {  	s3 =	sand.u32 $0x4000, s31;
	s1 =	sadd.s32 s1, s30  }
0xc0: {  	s0 =	sor.u32 s3, s0;
	s1 =	sshll.u32 s1, $0x11  }
0xc1: {  	s0 =	sor.u32 s1, s0  }
0xc2: {  	s0 =	sadd.s32 $0x8F2B, s0  }
0xc3: {  	[sflag:s0] =	ssyncadd.remote.s32 $0x1  }
0xc4: {  	_ =	sfence.sel $0xFFFF  }
0xc5: {  	[dreg:$0x0] =	wrdreg $0xFFFFFFFF;
	(pc) =	sbr.abs _section_cstart, $3  }
0xc6: {  	[dreg:$0x1] =	wrdreg $0xFFFFFFFF  }
0xc7: {  	_ =	task.clear_ibuf [dreg:s7], $0x2FFFF;
	_ =	strace $0x9FFFFFFF  }
0xc8: {  	(tm) =	ssettm $0x7FFFFFFF  }
0xc9: {  	_ =	shalt  }
tec
execute0_lowered:
.L_overlay_start_1:
0x0: {  	(tag) =	ssettag $0x1  }
0x1: {  	s1 =	srdreg.scid;
	s0 =	stileid.u32  }
0x2: {  	s5 =	rddreg [dreg:$0x0];
	s14 =	sand.u32 $0x1, s1;
	s29 =	sshll.u32 s0, $0x1  }
0x3: {  	s15 =	rddreg [dreg:$0x1];
	s16 =	sor.u32 s14, s29  }
0x4: {  	s2 =	simm.s32 $0x0;
	s1 =	rddreg [dreg:$0x2];
	s3 =	sshll.u32 s16, $0x6  }
0x5: {  	[smem:$0x7FF] =	sst s2;
	s3 =	sadd.s32 s3, s5  }
0x6: {  	_ =	strace $0x80000047;
	s4 =	sadd.s32 $0x8400, s3;
	s3 =	simm.s32 $0x2  }
0x7: {  	[tilespmem:s2], [sflag:$0x2] =	stream.linear.gather [hbm4b:s4+s2], $0x200, $0x38;
	[tilespmem:$0x4200] =	vst v63  }
0x8: {  	_ =	swait.ge [sflag:s3], $0x200  }
0x9: {  	s6 =	simm.s32 $0x80;
	[sflag:s3] =	ssyncset.done $0x0  }
0xa: {  	s7 =	simm.s32 $0x200;
	s5 =	sadd.s32 $0x400, s5;
	[sflag:s3] =	ssyncadd.s32 $0xFFFFFE00  }
0xb: {  	[tilespmem:s7], [sflag:$0x1] =	stream.indirect.gather [hbm4b:s5+s6], $0x20, s2, s6, $0xb8;
	[tilespmem:$0x4200] =	vst v63  }
0xc: {  	s8 =	simm.s32 $0x1200  }
0xd: {  	[tilespmem:s8], [sflag:$0x1] =	stream.indirect.gather [hbm4b:s5+s6], $0x20, s6, s6, $0xb8;
	[tilespmem:$0x4200] =	vst v63  }
0xe: {  	s9 =	simm.s32 $0x100;
	s10 =	simm.s32 $0x2200  }
0xf: {  	[tilespmem:s10], [sflag:$0x1] =	stream.indirect.gather [hbm4b:s5+s6], $0x20, s9, s6, $0xb8;
	[tilespmem:$0x4200] =	vst v63  }
0x10: {  	s11 =	simm.s32 $0x180;
	s12 =	simm.s32 $0x3200;
	s13 =	simm.s32 $0x1  }
0x11: {  	[tilespmem:s12], [sflag:$0x1] =	stream.indirect.gather [hbm4b:s5+s6], $0x20, s11, s6, $0xb8;
	[tilespmem:$0x4200] =	vst v63  }
0x12: {  	_ =	swait.ge [sflag:s13], $0x1000  }
0x13: {  	[sflag:s13] =	ssyncset.done $0x0  }
0x14: {  	[sflag:s13] =	ssyncadd.s32 $0xFFFFF000  }
0x15: {  	_ =	swait.ge [sflag:s13], $0x1000  }
0x16: {  	[sflag:s13] =	ssyncset.done $0x0  }
0x17: {  	s14 =	ssub.s32 $0x2, s14;
	[sflag:s13] =	ssyncadd.s32 $0xFFFFF000  }
0x18: {  	s17 =	sshrl.u32 s14, $0x1;
	_ =	swait.ge [sflag:s13], $0x1000  }
0x19: {  	s17 =	ssub.s32 s14, s17;
	[sflag:s13] =	ssyncset.done $0x0  }
0x1a: {  	s31 =	smax.u32 s17, $0x1;
	[sflag:s13] =	ssyncadd.s32 $0xFFFFF000  }
0x1b: {  	p0 =	sne.s32 s31, $0x1;
	_ =	swait.ge [sflag:s13], $0x1000  }
.Ltmp0:
0x1c: {  	s30 =	sshll.u32 s16, $0xB;
	[sflag:s13] =	ssyncset.done $0x0;
	(pc) =	sbr.rel @!p0 .LBB2_2-.Ltmp0, $4  }
0x1d: {  	s14 =	sadd.s32 s15, s30;
	[sflag:s13] =	ssyncadd.s32 $0xFFFFF000  }
0x1e: {  	[hbm4b:s14+s2] =	stream.linear.scatter [tilespmem:s7], [sflag:$0x2], $0x4000, $0x38;
	[tilespmem:$0x4200] =	vst v63  }
0x1f: {  	_ =	swait.ge [sflag:s3], $0x4000  }
0x20: {  	s15 =	sadd.s32 $0xFFFFFFFF, s31;
	[sflag:s3] =	ssyncset.done $0x0  }
.LBB2_1:
0x21: {  	p0 =	sne.s32 s15, $0x1;
	s15 =	sadd.s32 $0xFFFFFFFF, s15;
	[sflag:s3] =	ssyncadd.s32 $0xFFFFC000  }
0x22: {  	[tilespmem:s2], [sflag:$0x2] =	stream.linear.gather [hbm4b:s4+s2], $0x200, $0x38;
	[tilespmem:$0x4200] =	vst v63  }
0x23: {  	_ =	swait.ge [sflag:s3], $0x200  }
0x24: {  	[sflag:s3] =	ssyncset.done $0x0  }
0x25: {  	[sflag:s3] =	ssyncadd.s32 $0xFFFFFE00  }
0x26: {  	[tilespmem:s7], [sflag:$0x1] =	stream.indirect.gather [hbm4b:s5+s6], $0x20, s2, s6, $0xb8;
	[tilespmem:$0x4200] =	vst v63  }
0x27: {  	_ = 	snop  }
0x28: {  	[tilespmem:s8], [sflag:$0x1] =	stream.indirect.gather [hbm4b:s5+s6], $0x20, s6, s6, $0xb8;
	[tilespmem:$0x4200] =	vst v63  }
0x29: {  	_ = 	snop  }
0x2a: {  	[tilespmem:s10], [sflag:$0x1] =	stream.indirect.gather [hbm4b:s5+s6], $0x20, s9, s6, $0xb8;
	[tilespmem:$0x4200] =	vst v63  }
0x2b: {  	_ = 	snop  }
0x2c: {  	[tilespmem:s12], [sflag:$0x1] =	stream.indirect.gather [hbm4b:s5+s6], $0x20, s11, s6, $0xb8;
	[tilespmem:$0x4200] =	vst v63  }
0x2d: {  	_ =	swait.ge [sflag:s13], $0x1000  }
0x2e: {  	[sflag:s13] =	ssyncset.done $0x0  }
0x2f: {  	[sflag:s13] =	ssyncadd.s32 $0xFFFFF000  }
0x30: {  	_ =	swait.ge [sflag:s13], $0x1000  }
0x31: {  	[sflag:s13] =	ssyncset.done $0x0  }
0x32: {  	[sflag:s13] =	ssyncadd.s32 $0xFFFFF000  }
0x33: {  	_ =	swait.ge [sflag:s13], $0x1000  }
0x34: {  	[sflag:s13] =	ssyncset.done $0x0  }
0x35: {  	[sflag:s13] =	ssyncadd.s32 $0xFFFFF000  }
0x36: {  	_ =	swait.ge [sflag:s13], $0x1000  }
.Ltmp1:
0x37: {  	[sflag:s13] =	ssyncset.done $0x0;
	(pc) =	sbr.rel @p0 .LBB2_1-.Ltmp1, $4  }
0x38: {  	[sflag:s13] =	ssyncadd.s32 $0xFFFFF000  }
0x39: {  	[hbm4b:s14+s2] =	stream.linear.scatter [tilespmem:s7], [sflag:$0x2], $0x4000, $0x38;
	[tilespmem:$0x4200] =	vst v63  }
0x3a: {  	_ =	swait.ge [sflag:s3], $0x4000  }
0x3b: {  	[sflag:s3] =	ssyncset.done $0x0  }
.LBB2_2:
0x3c: {  	[sflag:s3] =	ssyncadd.s32 $0xFFFFC000  }
0x3d: {  	_ =	sfence.sel $0x180000  }
0x3e: {  	[bflag:$0x0] =	sbarrier.arrive $0xFFFF  }
0x3f: {  	p0 =	sne.s32 s0, $0x0;
	_ =	strace $0x90000047  }
0x40: {  	s0 =	sadd.s32 @!p0 $0x100000, s1;
	[bflag:$0x2] =	sbarrier.arrive $0xFFFF  }
0x41: {  	[sflag:s0] =	ssyncadd.tile.s32 @!p0 $0x1;
	_ =	shalt  }
.Lfunc_end2:
_tile_overlayer_lowered:
.L_overlay_start_2:
0x42: {  	(tag) =	ssettag $0x2  }
0x43: {  	s0 =	rddreg [dreg:$0x0];
	s2 =	stileid.u32  }
0x44: {  	s1 =	rddreg [dreg:$0x1];
	p0 =	sne.s32 s2, $0x0  }
0x45: {  	s3 =	rddreg [dreg:$0x2];
	[bflag:$0x3] =	sbarrier.arrive $0xFFFF;
	s2 =	simm.s32 @!p0 $0x1C02  }
0x46: {  	[timem:s3], [sflag:s2] =	dma.local @!p0 [hbm:s0], s1  }
0x47: {  	s0 =	simm.s32 @!p0 $0x2  }
0x48: {  	_ =	swait.ge @!p0 [sflag:s0], s1  }
0x49: {  	s1 =	ssub.s32 @!p0 $0x0, s1;
	[sflag:s0] =	ssyncset.done @!p0 $0x0  }
0x4a: {  	[sflag:s0] =	ssyncadd.s32 @!p0 s1  }
0x4b: {  	[bflag:$0x3] =	sbarrier.arrive $0xFFFF  }
0x4c: {  	_ =	shalt  }

</sc_bundles>
